<compile_context>
chip_gen: v7x
topology: tpu7x:2x2x1
jax: 0.10.2.dev20260603
libtpu: 0.0.44.dev20260713+nightly
codegen_flags: <defaults>
</compile_context>

<pallas_src>
import numpy as np
import jax
import jax.numpy as jnp
from jax import lax
from jax.experimental import pallas as pl
from jax.experimental.pallas import tpu as pltpu
from jax.experimental.pallas import tpu_sc as plsc

_HOP_SIZE = 512
_SAMPLE_RATE = 44100
_ENC_SAMPLE_RATE = 16000
_ENC_HOP_SIZE = 320
_N_FRAMES = 14000

_NUM_WORKERS = 32
_SC_SLAB = 40
_SC_CHUNKS = (40,)
_F_SC = 1120

_BF = 560
_BI = 336
_NB = (_N_FRAMES - _F_SC) // _BF


def _np_index(n_frames: int, num_src_rows: int) -> np.ndarray:
    ratio = _HOP_SIZE / _SAMPLE_RATE / (_ENC_HOP_SIZE / _ENC_SAMPLE_RATE)
    idx = np.round(ratio * np.arange(n_frames)).astype(np.int64)
    return np.minimum(idx, num_src_rows - 1).astype(np.int32)


def _sc_slab_bases() -> list[int]:
    return [(_F_SC * w // _NUM_WORKERS // 8) * 8 for w in range(_NUM_WORKERS)]


def _sc_body(units_h, idx_h, out_h, idx_v, buf0, buf1,
             sem_in0, sem_in1, sem_out0, sem_out1):
    info = plsc.get_sparse_core_info()
    wid = lax.axis_index("s") * info.num_cores + lax.axis_index("c")
    base = pl.multiple_of(
        lax.shift_left(lax.shift_right_logical(35 * wid, 3), 3), 8)
    bufs = (buf0, buf1)
    sin = (sem_in0, sem_in1)
    sout = (sem_out0, sem_out1)
    offs = [0]
    for c in _SC_CHUNKS:
        offs.append(offs[-1] + c)
    pltpu.sync_copy(idx_h.at[wid], idx_v)

    def gather(c):
        return pltpu.async_copy(
            units_h.at[idx_v.at[0, pl.ds(offs[c], _SC_CHUNKS[c])]],
            bufs[c % 2].at[pl.ds(0, _SC_CHUNKS[c])], sin[c % 2])

    def put(c):
        return pltpu.async_copy(
            bufs[c % 2].at[pl.ds(0, _SC_CHUNKS[c])],
            out_h.at[pl.ds(base + offs[c], _SC_CHUNKS[c])], sout[c % 2])

    n = len(_SC_CHUNKS)
    hout = [None] * n
    hin = [None] * n
    hin[0] = gather(0)
    for c in range(n):
        if c + 1 < n:
            if c >= 1:
                hout[c - 1].wait()
            hin[c + 1] = gather(c + 1)
        hin[c].wait()
        hout[c] = put(c)
    for c in range(max(0, n - 2), n):
        hout[c].wait()


def _sc_gather(table, idx_np):
    feat = table.shape[1]
    idx_slabs = np.stack(
        [idx_np[b:b + _SC_SLAB] for b in _sc_slab_bases()])[:, None, :]
    mesh = plsc.VectorSubcoreMesh(core_axis_name="c", subcore_axis_name="s")
    run = pl.kernel(
        _sc_body,
        out_type=jax.ShapeDtypeStruct((_F_SC, feat), jnp.float32),
        mesh=mesh,
        scratch_types=[
            pltpu.VMEM((1, _SC_SLAB), jnp.int32),
            pltpu.VMEM((max(_SC_CHUNKS), feat), jnp.float32),
            pltpu.VMEM((max(_SC_CHUNKS), feat), jnp.float32),
            pltpu.SemaphoreType.DMA,
            pltpu.SemaphoreType.DMA,
            pltpu.SemaphoreType.DMA,
            pltpu.SemaphoreType.DMA,
        ],
    )
    return run(table, jnp.asarray(idx_slabs))


def _tc_body(starts_s, table_any, out_ref, buf, sem):
    b = pl.program_id(0)

    def span_copy(bb, slot):
        start = pl.multiple_of(starts_s[bb], 8)
        return pltpu.make_async_copy(
            table_any.at[pl.ds(start, _BI)], buf.at[slot], sem.at[slot])

    @pl.when(b == 0)
    def _():
        span_copy(0, 0).start()

    @pl.when(b + 1 < _NB)
    def _():
        span_copy(b + 1, (b + 1) % 2).start()

    span_copy(b, b % 2).wait()

    f0 = _F_SC + b * _BF
    s = starts_s[b]
    f2d = f0 + lax.broadcasted_iota(jnp.int32, (_BF, _BI), 0)
    r2d = s + lax.broadcasted_iota(jnp.int32, (_BF, _BI), 1)
    lo = lax.shift_right_arithmetic(882 * r2d + 71, 9)
    hi = lax.shift_right_arithmetic(882 * r2d + 953, 9)
    p = jnp.where((f2d >= lo) & (f2d < hi), 1.0, 0.0).astype(jnp.float32)
    out_ref[...] = jnp.dot(p, buf[b % 2], preferred_element_type=jnp.float32)


def _tc_expand(table, idx_np):
    num_src_rows, feat = table.shape
    f0s = _F_SC + np.arange(_NB) * _BF
    starts = (idx_np[f0s] // 8) * 8
    assert int((idx_np[f0s + _BF - 1] - starts).max()) < _BI
    assert int(starts.max()) + _BI <= num_src_rows
    assert _F_SC % _BF == 0

    return pl.pallas_call(
        _tc_body,
        grid=(_NB,),
        in_specs=[
            pl.BlockSpec(memory_space=pltpu.SMEM),
            pl.BlockSpec(memory_space=pl.ANY),
        ],
        out_specs=pl.BlockSpec((_BF, feat), lambda b: (b + _F_SC // _BF, 0)),
        out_shape=jax.ShapeDtypeStruct((_N_FRAMES, feat), jnp.float32),
        scratch_shapes=[
            pltpu.VMEM((2, _BI, feat), jnp.float32),
            pltpu.SemaphoreType.DMA((2,)),
        ],
    )(jnp.asarray(starts), table)


def kernel(units, n_frames):
    del n_frames
    _, num_src_rows, feat = units.shape
    table = units.reshape(num_src_rows, feat)
    idx_np = _np_index(_N_FRAMES, num_src_rows)
    sc_out = _sc_gather(table, idx_np)
    tc_out = _tc_expand(table, idx_np)
    out = lax.dynamic_update_slice(tc_out, sc_out, (0, 0))
    return out[None]

# --- scband reference (transcript-rebuilt; emitter-appended) ---
"""Pipeline reference for scband-units-aligner-18803366822369 (READ-ONLY COPY).

The authoritative reference and input builder live on the scoring server;
editing this copy changes nothing except your own understanding.
"""

import jax, jax.numpy as jnp
import numpy as np

HOP_SIZE = 512
SAMPLE_RATE = 44100
ENC_SAMPLE_RATE = 16000
ENC_HOP_SIZE = 320
N_FRAMES = 14000


def setup_inputs(seed: int = 0) -> dict:
    key = jax.random.key(seed)
    units = jax.random.normal(key, (1, 8192, 1024), dtype=jnp.float32)
    n_frames = 14000
    return {"units": units, "n_frames": n_frames}


def reference(units, n_frames):
    # ratio between mel frame rate and encoder (hubert) frame rate
    ratio = HOP_SIZE / SAMPLE_RATE / (ENC_HOP_SIZE / ENC_SAMPLE_RATE)
    frames = jnp.arange(N_FRAMES)
    index = jnp.round(ratio * frames).astype(jnp.int32)
    index = jnp.minimum(index, units.shape[1] - 1)
    index = jnp.where(frames < n_frames, index, index)
    # torch.gather along dim=1 with index repeated over the feature dim
    # is equivalent to advanced-indexing along the time axis
    units_aligned = units[:, index, :]
    return units_aligned

if __name__ == "__main__":
    import jax
    _d = setup_inputs()
    print(jax.jit(kernel)(*tuple(_d.values())))

</pallas_src>

<mosaic_0001>
#map = affine_map<(d0, d1) -> (0, 0)>
#map1 = affine_map<(d0, d1) -> (0, 0, 0)>
module attributes {stable_mosaic.version = 14 : i64} {
  func.func @_sc_body(%arg0: i32, %arg1: i32, %arg2: memref<8192x1024xf32, #tpu.memory_space<hbm>>, %arg3: memref<32x1x40xi32, #tpu.memory_space<hbm>>, %arg4: memref<1120x1024xf32, #tpu.memory_space<hbm>>, %arg5: memref<1x40xi32, #tpu.memory_space<vmem>>, %arg6: memref<40x1024xf32, #tpu.memory_space<vmem>>, %arg7: memref<40x1024xf32, #tpu.memory_space<vmem>>, %arg8: memref<!tpu.dma_semaphore, #tpu.memory_space<semaphore_mem>>, %arg9: memref<!tpu.dma_semaphore, #tpu.memory_space<semaphore_mem>>, %arg10: memref<!tpu.dma_semaphore, #tpu.memory_space<semaphore_mem>>, %arg11: memref<!tpu.dma_semaphore, #tpu.memory_space<semaphore_mem>>) attributes {dimension_semantics = [#tpu.dimension_semantics<core_parallel>, #tpu.dimension_semantics<subcore_parallel>], iteration_bounds = array<i64: 2, 16>, scalar_prefetch = 0 : i64, scratch_operands = 7 : i64, tpu.core_type = #tpu.core_type<sc_vector_subcore>, window_params = [{transform_indices = #map}, {transform_indices = #map1}, {transform_indices = #map}]} {
    %mul3A = arith.constant 2 : i32
    %mul3A_0 = arith.muli %arg1, %mul3A : i32
    %add3A = arith.addi %mul3A_0, %arg0 : i32
    %mul3A_1 = arith.constant 35 : i32
    %mul3A_2 = arith.muli %mul3A_1, %add3A : i32
    %shift_right_logical3A = arith.constant 3 : i32
    %shift_right_logical3A_3 = arith.shrui %mul3A_2, %shift_right_logical3A : i32
    %shift_left3A = arith.constant 3 : i32
    %shift_left3A_4 = arith.shli %shift_right_logical3A_3, %shift_left3A : i32
    %multiple_of3A = tpu.assume_multiple %shift_left3A_4, 8 : i32
    "tpu.region"() ({
      %run_scoped3A = tpu.sem_alloc : memref<!tpu.dma_semaphore, #tpu.memory_space<semaphore_mem>>
      %dma_start3A_45 = arith.constant 0 : i32
      %dma_start3A_46 = arith.constant 0 : i32
      %dma_start3A_47 = tpu.memref_slice %arg3[%add3A, %dma_start3A_45, %dma_start3A_46] : memref<32x1x40xi32, #tpu.memory_space<hbm>> -> memref<1x1x40xi32, #tpu.memory_space<hbm>>
      %dma_start3A_48 = tpu.memref_squeeze %dma_start3A_47 : memref<1x1x40xi32, #tpu.memory_space<hbm>> -> memref<1x40xi32, #tpu.memory_space<hbm>>
      %dma_start3A_49 = arith.constant 0 : i32
      %dma_start3A_50 = arith.constant 0 : i32
      %dma_start3A_51 = tpu.memref_slice %arg3[%add3A, %dma_start3A_49, %dma_start3A_50] : memref<32x1x40xi32, #tpu.memory_space<hbm>> -> memref<1x1x40xi32, #tpu.memory_space<hbm>>
      %dma_start3A_52 = tpu.memref_squeeze %dma_start3A_51 : memref<1x1x40xi32, #tpu.memory_space<hbm>> -> memref<1x40xi32, #tpu.memory_space<hbm>>
      tpu.enqueue_dma source(%dma_start3A_52 : memref<1x40xi32, #tpu.memory_space<hbm>>) target(%arg5 : memref<1x40xi32, #tpu.memory_space<vmem>>) target_semaphore(%run_scoped3A : memref<!tpu.dma_semaphore, #tpu.memory_space<semaphore_mem>>)
      %dma_wait3A_53 = arith.constant 0 : i32
      %dma_wait3A_54 = arith.constant 0 : i32
      %dma_wait3A_55 = tpu.memref_slice %arg3[%add3A, %dma_wait3A_53, %dma_wait3A_54] : memref<32x1x40xi32, #tpu.memory_space<hbm>> -> memref<1x1x40xi32, #tpu.memory_space<hbm>>
      %dma_wait3A_56 = tpu.memref_squeeze %dma_wait3A_55 : memref<1x1x40xi32, #tpu.memory_space<hbm>> -> memref<1x40xi32, #tpu.memory_space<hbm>>
      %dma_wait3A_57 = arith.constant 0 : i32
      %dma_wait3A_58 = arith.constant 0 : i32
      %dma_wait3A_59 = tpu.memref_slice %arg3[%add3A, %dma_wait3A_57, %dma_wait3A_58] : memref<32x1x40xi32, #tpu.memory_space<hbm>> -> memref<1x1x40xi32, #tpu.memory_space<hbm>>
      %dma_wait3A_60 = tpu.memref_squeeze %dma_wait3A_59 : memref<1x1x40xi32, #tpu.memory_space<hbm>> -> memref<1x40xi32, #tpu.memory_space<hbm>>
      tpu.wait_dma2 semaphore(%run_scoped3A : memref<!tpu.dma_semaphore, #tpu.memory_space<semaphore_mem>>) src(%dma_wait3A_60 : memref<1x40xi32, #tpu.memory_space<hbm>>) dst(%arg5 : memref<1x40xi32, #tpu.memory_space<vmem>>)
      tpu.yield
    }) : () -> ()
    %dma_start3A = arith.constant 0 : i32
    %dma_start3A_5 = arith.constant 0 : i32
    %dma_start3A_6 = arith.constant 0 : i32
    %dma_start3A_7 = tpu.memref_slice %arg6[%dma_start3A_5, %dma_start3A_6] : memref<40x1024xf32, #tpu.memory_space<vmem>> -> memref<40x1024xf32, #tpu.memory_space<vmem>>
    %dma_start3A_8 = arith.constant 0 : i32
    %dma_start3A_9 = tpu.memref_slice %arg5[%dma_start3A, %dma_start3A_8] : memref<1x40xi32, #tpu.memory_space<vmem>> -> memref<1x40xi32, #tpu.memory_space<vmem>>
    %dma_start3A_10 = tpu.memref_squeeze %dma_start3A_9 : memref<1x40xi32, #tpu.memory_space<vmem>> -> memref<40xi32, #tpu.memory_space<vmem>>
    %dma_start3A_11 = arith.constant 0 : i32
    %dma_start3A_12 = arith.constant 0 : i32
    %dma_start3A_13 = tpu.memref_slice %arg2[%dma_start3A_11, %dma_start3A_12] : memref<8192x1024xf32, #tpu.memory_space<hbm>> -> memref<8192x1024xf32, #tpu.memory_space<hbm>>
    tpu.enqueue_indirect_dma source(%dma_start3A_13 : memref<8192x1024xf32, #tpu.memory_space<hbm>>) target(%dma_start3A_7 : memref<40x1024xf32, #tpu.memory_space<vmem>>) offsets(%dma_start3A_10 : memref<40xi32, #tpu.memory_space<vmem>>) semaphore(%arg8 : memref<!tpu.dma_semaphore, #tpu.memory_space<semaphore_mem>>)
    %dma_wait3A = arith.constant 0 : i32
    %dma_wait3A_14 = arith.constant 0 : i32
    %dma_wait3A_15 = arith.constant 0 : i32
    %dma_wait3A_16 = tpu.memref_slice %arg6[%dma_wait3A_14, %dma_wait3A_15] : memref<40x1024xf32, #tpu.memory_space<vmem>> -> memref<40x1024xf32, #tpu.memory_space<vmem>>
    %dma_wait3A_17 = arith.constant 0 : i32
    %dma_wait3A_18 = tpu.memref_slice %arg5[%dma_wait3A, %dma_wait3A_17] : memref<1x40xi32, #tpu.memory_space<vmem>> -> memref<1x40xi32, #tpu.memory_space<vmem>>
    %dma_wait3A_19 = tpu.memref_squeeze %dma_wait3A_18 : memref<1x40xi32, #tpu.memory_space<vmem>> -> memref<40xi32, #tpu.memory_space<vmem>>
    %dma_wait3A_20 = arith.constant 0 : i32
    %dma_wait3A_21 = arith.constant 0 : i32
    %dma_wait3A_22 = tpu.memref_slice %arg2[%dma_wait3A_20, %dma_wait3A_21] : memref<8192x1024xf32, #tpu.memory_space<hbm>> -> memref<8192x1024xf32, #tpu.memory_space<hbm>>
    tpu.wait_indirect_dma semaphore(%arg8 : memref<!tpu.dma_semaphore, #tpu.memory_space<semaphore_mem>>) src(%dma_wait3A_22 : memref<8192x1024xf32, #tpu.memory_space<hbm>>) dst(%dma_wait3A_16 : memref<40x1024xf32, #tpu.memory_space<vmem>>)
    %add3A_23 = arith.constant 0 : i32
    %add3A_24 = arith.addi %multiple_of3A, %add3A_23 : i32
    %dma_start3A_25 = arith.constant 0 : i32
    %dma_start3A_26 = arith.constant 0 : i32
    %dma_start3A_27 = tpu.memref_slice %arg6[%dma_start3A_25, %dma_start3A_26] : memref<40x1024xf32, #tpu.memory_space<vmem>> -> memref<40x1024xf32, #tpu.memory_space<vmem>>
    %dma_start3A_28 = arith.constant 0 : i32
    %dma_start3A_29 = tpu.memref_slice %arg4[%add3A_24, %dma_start3A_28] : memref<1120x1024xf32, #tpu.memory_space<hbm>> -> memref<40x1024xf32, #tpu.memory_space<hbm>>
    %dma_start3A_30 = arith.constant 0 : i32
    %dma_start3A_31 = tpu.memref_slice %arg4[%add3A_24, %dma_start3A_30] : memref<1120x1024xf32, #tpu.memory_space<hbm>> -> memref<40x1024xf32, #tpu.memory_space<hbm>>
    %dma_start3A_32 = arith.constant 0 : i32
    %dma_start3A_33 = arith.constant 0 : i32
    %dma_start3A_34 = tpu.memref_slice %arg6[%dma_start3A_32, %dma_start3A_33] : memref<40x1024xf32, #tpu.memory_space<vmem>> -> memref<40x1024xf32, #tpu.memory_space<vmem>>
    tpu.enqueue_dma source(%dma_start3A_34 : memref<40x1024xf32, #tpu.memory_space<vmem>>) target(%dma_start3A_31 : memref<40x1024xf32, #tpu.memory_space<hbm>>) target_semaphore(%arg10 : memref<!tpu.dma_semaphore, #tpu.memory_space<semaphore_mem>>)
    %dma_wait3A_35 = arith.constant 0 : i32
    %dma_wait3A_36 = arith.constant 0 : i32
    %dma_wait3A_37 = tpu.memref_slice %arg6[%dma_wait3A_35, %dma_wait3A_36] : memref<40x1024xf32, #tpu.memory_space<vmem>> -> memref<40x1024xf32, #tpu.memory_space<vmem>>
    %dma_wait3A_38 = arith.constant 0 : i32
    %dma_wait3A_39 = tpu.memref_slice %arg4[%add3A_24, %dma_wait3A_38] : memref<1120x1024xf32, #tpu.memory_space<hbm>> -> memref<40x1024xf32, #tpu.memory_space<hbm>>
    %dma_wait3A_40 = arith.constant 0 : i32
    %dma_wait3A_41 = tpu.memref_slice %arg4[%add3A_24, %dma_wait3A_40] : memref<1120x1024xf32, #tpu.memory_space<hbm>> -> memref<40x1024xf32, #tpu.memory_space<hbm>>
    %dma_wait3A_42 = arith.constant 0 : i32
    %dma_wait3A_43 = arith.constant 0 : i32
    %dma_wait3A_44 = tpu.memref_slice %arg6[%dma_wait3A_42, %dma_wait3A_43] : memref<40x1024xf32, #tpu.memory_space<vmem>> -> memref<40x1024xf32, #tpu.memory_space<vmem>>
    tpu.wait_dma2 semaphore(%arg10 : memref<!tpu.dma_semaphore, #tpu.memory_space<semaphore_mem>>) src(%dma_wait3A_44 : memref<40x1024xf32, #tpu.memory_space<vmem>>) dst(%dma_wait3A_41 : memref<40x1024xf32, #tpu.memory_space<hbm>>)
    return
  }
}

module attributes {stable_mosaic.version = 14 : i64} {
  func.func @_tc_body(%arg0: i32, %arg1: memref<23xi32, #tpu.memory_space<smem>>, %arg2: memref<8192x1024xf32, #tpu.memory_space<any>>, %arg3: memref<560x1024xf32, #tpu.memory_space<vmem>>, %arg4: memref<2x336x1024xf32, #tpu.memory_space<vmem>>, %arg5: memref<2x!tpu.dma_semaphore, #tpu.memory_space<semaphore_mem>>) attributes {dimension_semantics = [#tpu.dimension_semantics<arbitrary>], iteration_bounds = array<i64: 23>, scalar_prefetch = 0 : i64, scratch_operands = 2 : i64, tpu.core_type = #tpu.core_type<tc>, window_params = [{transform_indices = @transform_0, window_bounds = array<i64: 23>}, {}, {transform_indices = @transform_2, window_bounds = array<i64: 560, 1024>}]} {
    %eq3A = arith.constant 0 : i32
    %eq3A_0 = arith.cmpi eq, %arg0, %eq3A : i32
    %convert_element_type3A = arith.extui %eq3A_0 : i1 to i32
    %cond3A = arith.constant 0 : i32
    %cond3A_1 = arith.cmpi ne, %convert_element_type3A, %cond3A : i32
    scf.if %cond3A_1 {
      %get3A_83 = arith.constant 0 : index
      %get3A_84 = memref.load %arg1[%get3A_83] : memref<23xi32, #tpu.memory_space<smem>>
      %multiple_of3A_85 = tpu.assume_multiple %get3A_84, 8 : i32
      %dma_start3A = arith.constant 0 : i32
      %dma_start3A_86 = arith.constant 0 : i32
      %dma_start3A_87 = tpu.memref_slice %arg5[%dma_start3A_86] : memref<2x!tpu.dma_semaphore, #tpu.memory_space<semaphore_mem>> -> memref<1x!tpu.dma_semaphore, #tpu.memory_space<semaphore_mem>>
      %dma_start3A_88 = tpu.memref_squeeze %dma_start3A_87 : memref<1x!tpu.dma_semaphore, #tpu.memory_space<semaphore_mem>> -> memref<!tpu.dma_semaphore, #tpu.memory_space<semaphore_mem>>
      %dma_start3A_89 = arith.constant 0 : i32
      %dma_start3A_90 = arith.constant 0 : i32
      %dma_start3A_91 = tpu.memref_slice %arg4[%dma_start3A, %dma_start3A_89, %dma_start3A_90] : memref<2x336x1024xf32, #tpu.memory_space<vmem>> -> memref<1x336x1024xf32, #tpu.memory_space<vmem>>
      %dma_start3A_92 = tpu.memref_squeeze %dma_start3A_91 : memref<1x336x1024xf32, #tpu.memory_space<vmem>> -> memref<336x1024xf32, #tpu.memory_space<vmem>>
      %dma_start3A_93 = arith.constant 0 : i32
      %dma_start3A_94 = tpu.memref_slice %arg2[%multiple_of3A_85, %dma_start3A_93] : memref<8192x1024xf32, #tpu.memory_space<any>> -> memref<336x1024xf32, #tpu.memory_space<any>>
      tpu.enqueue_dma source(%dma_start3A_94 : memref<336x1024xf32, #tpu.memory_space<any>>) target(%dma_start3A_92 : memref<336x1024xf32, #tpu.memory_space<vmem>>) target_semaphore(%dma_start3A_88 : memref<!tpu.dma_semaphore, #tpu.memory_space<semaphore_mem>>)
    } else {
    }
    %add3A = arith.constant 1 : i32
    %add3A_2 = arith.addi %arg0, %add3A : i32
    %lt3A = arith.constant 23 : i32
    %lt3A_3 = arith.cmpi slt, %add3A_2, %lt3A : i32
    %convert_element_type3A_4 = arith.extui %lt3A_3 : i1 to i32
    %cond3A_5 = arith.constant 0 : i32
    %cond3A_6 = arith.cmpi ne, %convert_element_type3A_4, %cond3A_5 : i32
    scf.if %cond3A_6 {
      %add3A_83 = arith.constant 1 : i32
      %add3A_84 = arith.addi %arg0, %add3A_83 : i32
      %add3A_85 = arith.constant 1 : i32
      %add3A_86 = arith.addi %arg0, %add3A_85 : i32
      %jit3A_87 = arith.constant 2 : i32
      %eq3A_88 = arith.constant 0 : i32
      %eq3A_89 = arith.cmpi eq, %jit3A_87, %eq3A_88 : i32
      %jit3A_90 = arith.constant 1 : i32
      %select_n3A_91 = arith.select %eq3A_89, %jit3A_90, %jit3A_87 : i32
      %rem3A_92 = arith.remsi %add3A_86, %select_n3A_91 : i32
      %ne3A_93 = arith.constant 0 : i32
      %ne3A_94 = arith.cmpi ne, %rem3A_92, %ne3A_93 : i32
      %lt3A_95 = arith.constant 0 : i32
      %lt3A_96 = arith.cmpi slt, %rem3A_92, %lt3A_95 : i32
      %lt3A_97 = arith.constant 0 : i32
      %lt3A_98 = arith.cmpi slt, %select_n3A_91, %lt3A_97 : i32
      %ne3A_99 = arith.xori %lt3A_96, %lt3A_98 : i1
      %and3A_100 = arith.andi %ne3A_99, %ne3A_94 : i1
      %add3A_101 = arith.addi %rem3A_92, %select_n3A_91 : i32
      %select_n3A_102 = arith.select %and3A_100, %add3A_101, %rem3A_92 : i32
      %get3A_103 = arith.index_cast %add3A_84 : i32 to index
      %get3A_104 = memref.load %arg1[%get3A_103] : memref<23xi32, #tpu.memory_space<smem>>
      %multiple_of3A_105 = tpu.assume_multiple %get3A_104, 8 : i32
      %dma_start3A = tpu.memref_slice %arg5[%select_n3A_102] : memref<2x!tpu.dma_semaphore, #tpu.memory_space<semaphore_mem>> -> memref<1x!tpu.dma_semaphore, #tpu.memory_space<semaphore_mem>>
      %dma_start3A_106 = tpu.memref_squeeze %dma_start3A : memref<1x!tpu.dma_semaphore, #tpu.memory_space<semaphore_mem>> -> memref<!tpu.dma_semaphore, #tpu.memory_space<semaphore_mem>>
      %dma_start3A_107 = arith.constant 0 : i32
      %dma_start3A_108 = arith.constant 0 : i32
      %dma_start3A_109 = tpu.memref_slice %arg4[%select_n3A_102, %dma_start3A_107, %dma_start3A_108] : memref<2x336x1024xf32, #tpu.memory_space<vmem>> -> memref<1x336x1024xf32, #tpu.memory_space<vmem>>
      %dma_start3A_110 = tpu.memref_squeeze %dma_start3A_109 : memref<1x336x1024xf32, #tpu.memory_space<vmem>> -> memref<336x1024xf32, #tpu.memory_space<vmem>>
      %dma_start3A_111 = arith.constant 0 : i32
      %dma_start3A_112 = tpu.memref_slice %arg2[%multiple_of3A_105, %dma_start3A_111] : memref<8192x1024xf32, #tpu.memory_space<any>> -> memref<336x1024xf32, #tpu.memory_space<any>>
      tpu.enqueue_dma source(%dma_start3A_112 : memref<336x1024xf32, #tpu.memory_space<any>>) target(%dma_start3A_110 : memref<336x1024xf32, #tpu.memory_space<vmem>>) target_semaphore(%dma_start3A_106 : memref<!tpu.dma_semaphore, #tpu.memory_space<semaphore_mem>>)
    } else {
    }
    %jit3A = arith.constant 2 : i32
    %eq3A_7 = arith.constant 0 : i32
    %eq3A_8 = arith.cmpi eq, %jit3A, %eq3A_7 : i32
    %jit3A_9 = arith.constant 1 : i32
    %select_n3A = arith.select %eq3A_8, %jit3A_9, %jit3A : i32
    %rem3A = arith.remsi %arg0, %select_n3A : i32
    %ne3A = arith.constant 0 : i32
    %ne3A_10 = arith.cmpi ne, %rem3A, %ne3A : i32
    %lt3A_11 = arith.constant 0 : i32
    %lt3A_12 = arith.cmpi slt, %rem3A, %lt3A_11 : i32
    %lt3A_13 = arith.constant 0 : i32
    %lt3A_14 = arith.cmpi slt, %select_n3A, %lt3A_13 : i32
    %ne3A_15 = arith.xori %lt3A_12, %lt3A_14 : i1
    %and3A = arith.andi %ne3A_15, %ne3A_10 : i1
    %add3A_16 = arith.addi %rem3A, %select_n3A : i32
    %select_n3A_17 = arith.select %and3A, %add3A_16, %rem3A : i32
    %get3A = arith.index_cast %arg0 : i32 to index
    %get3A_18 = memref.load %arg1[%get3A] : memref<23xi32, #tpu.memory_space<smem>>
    %multiple_of3A = tpu.assume_multiple %get3A_18, 8 : i32
    %dma_wait3A = tpu.memref_slice %arg5[%select_n3A_17] : memref<2x!tpu.dma_semaphore, #tpu.memory_space<semaphore_mem>> -> memref<1x!tpu.dma_semaphore, #tpu.memory_space<semaphore_mem>>
    %dma_wait3A_19 = tpu.memref_squeeze %dma_wait3A : memref<1x!tpu.dma_semaphore, #tpu.memory_space<semaphore_mem>> -> memref<!tpu.dma_semaphore, #tpu.memory_space<semaphore_mem>>
    %dma_wait3A_20 = arith.constant 0 : i32
    %dma_wait3A_21 = arith.constant 0 : i32
    %dma_wait3A_22 = tpu.memref_slice %arg4[%select_n3A_17, %dma_wait3A_20, %dma_wait3A_21] : memref<2x336x1024xf32, #tpu.memory_space<vmem>> -> memref<1x336x1024xf32, #tpu.memory_space<vmem>>
    %dma_wait3A_23 = tpu.memref_squeeze %dma_wait3A_22 : memref<1x336x1024xf32, #tpu.memory_space<vmem>> -> memref<336x1024xf32, #tpu.memory_space<vmem>>
    %dma_wait3A_24 = arith.constant 0 : i32
    %dma_wait3A_25 = tpu.memref_slice %arg2[%multiple_of3A, %dma_wait3A_24] : memref<8192x1024xf32, #tpu.memory_space<any>> -> memref<336x1024xf32, #tpu.memory_space<any>>
    tpu.wait_dma2 semaphore(%dma_wait3A_19 : memref<!tpu.dma_semaphore, #tpu.memory_space<semaphore_mem>>) src(%dma_wait3A_25 : memref<336x1024xf32, #tpu.memory_space<any>>) dst(%dma_wait3A_23 : memref<336x1024xf32, #tpu.memory_space<vmem>>)
    %mul3A = arith.constant 560 : i32
    %mul3A_26 = arith.muli %arg0, %mul3A : i32
    %add3A_27 = arith.constant 1120 : i32
    %add3A_28 = arith.addi %add3A_27, %mul3A_26 : i32
    %get3A_29 = arith.index_cast %arg0 : i32 to index
    %get3A_30 = memref.load %arg1[%get3A_29] : memref<23xi32, #tpu.memory_space<smem>>
    %iota3A = tpu.iota {dimensions = array<i32: 0>} : vector<560x336xi32>
    %add3A_31 = vector.broadcast %add3A_28 : i32 to vector<560x336xi32>
    %add3A_32 = arith.addi %add3A_31, %iota3A : vector<560x336xi32>
    %iota3A_33 = tpu.iota {dimensions = array<i32: 1>} : vector<560x336xi32>
    %add3A_34 = vector.broadcast %get3A_30 : i32 to vector<560x336xi32>
    %add3A_35 = arith.addi %add3A_34, %iota3A_33 : vector<560x336xi32>
    %mul3A_36 = arith.constant 882 : i32
    %mul3A_37 = vector.broadcast %mul3A_36 : i32 to vector<560x336xi32>
    %mul3A_38 = arith.muli %mul3A_37, %add3A_35 : vector<560x336xi32>
    %add3A_39 = arith.constant 71 : i32
    %add3A_40 = vector.broadcast %add3A_39 : i32 to vector<560x336xi32>
    %add3A_41 = arith.addi %mul3A_38, %add3A_40 : vector<560x336xi32>
    %shift_right_arithmetic3A = arith.constant 9 : i32
    %shift_right_arithmetic3A_42 = vector.broadcast %shift_right_arithmetic3A : i32 to vector<560x336xi32>
    %shift_right_arithmetic3A_43 = arith.shrsi %add3A_41, %shift_right_arithmetic3A_42 : vector<560x336xi32>
    %mul3A_44 = arith.constant 882 : i32
    %mul3A_45 = vector.broadcast %mul3A_44 : i32 to vector<560x336xi32>
    %mul3A_46 = arith.muli %mul3A_45, %add3A_35 : vector<560x336xi32>
    %add3A_47 = arith.constant 953 : i32
    %add3A_48 = vector.broadcast %add3A_47 : i32 to vector<560x336xi32>
    %add3A_49 = arith.addi %mul3A_46, %add3A_48 : vector<560x336xi32>
    %shift_right_arithmetic3A_50 = arith.constant 9 : i32
    %shift_right_arithmetic3A_51 = vector.broadcast %shift_right_arithmetic3A_50 : i32 to vector<560x336xi32>
    %shift_right_arithmetic3A_52 = arith.shrsi %add3A_49, %shift_right_arithmetic3A_51 : vector<560x336xi32>
    %ge3A = arith.cmpi sge, %add3A_32, %shift_right_arithmetic3A_43 : vector<560x336xi32>
    %lt3A_53 = arith.cmpi slt, %add3A_32, %shift_right_arithmetic3A_52 : vector<560x336xi32>
    %and3A_54 = arith.andi %ge3A, %lt3A_53 : vector<560x336xi1>
    %jit3A_55 = arith.constant 1.000000e+00 : f32
    %jit3A_56 = arith.constant 0.000000e+00 : f32
    %broadcast_in_dim3A = vector.broadcast %jit3A_55 : f32 to vector<560x336xf32>
    %broadcast_in_dim3A_57 = vector.broadcast %jit3A_56 : f32 to vector<560x336xf32>
    %select_n3A_58 = arith.select %and3A_54, %broadcast_in_dim3A, %broadcast_in_dim3A_57 : vector<560x336xi1>, vector<560x336xf32>
    %jit3A_59 = arith.constant 2 : i32
    %eq3A_60 = arith.constant 0 : i32
    %eq3A_61 = arith.cmpi eq, %jit3A_59, %eq3A_60 : i32
    %jit3A_62 = arith.constant 1 : i32
    %select_n3A_63 = arith.select %eq3A_61, %jit3A_62, %jit3A_59 : i32
    %rem3A_64 = arith.remsi %arg0, %select_n3A_63 : i32
    %ne3A_65 = arith.constant 0 : i32
    %ne3A_66 = arith.cmpi ne, %rem3A_64, %ne3A_65 : i32
    %lt3A_67 = arith.constant 0 : i32
    %lt3A_68 = arith.cmpi slt, %rem3A_64, %lt3A_67 : i32
    %lt3A_69 = arith.constant 0 : i32
    %lt3A_70 = arith.cmpi slt, %select_n3A_63, %lt3A_69 : i32
    %ne3A_71 = arith.xori %lt3A_68, %lt3A_70 : i1
    %and3A_72 = arith.andi %ne3A_71, %ne3A_66 : i1
    %add3A_73 = arith.addi %rem3A_64, %select_n3A_63 : i32
    %select_n3A_74 = arith.select %and3A_72, %add3A_73, %rem3A_64 : i32
    %get3A_75 = arith.index_cast %select_n3A_74 : i32 to index
    %get3A_76 = arith.constant 0 : index
    %get3A_77 = arith.constant 0 : index
    %get3A_78 = vector.load %arg4[%get3A_75, %get3A_76, %get3A_77] : memref<2x336x1024xf32, #tpu.memory_space<vmem>>, vector<1x336x1024xf32>
    %get3A_79 = vector.shape_cast %get3A_78 : vector<1x336x1024xf32> to vector<336x1024xf32>
    %dot_general3A = arith.constant dense<0.000000e+00> : vector<560x1024xf32>
    %dot_general3A_80 = tpu.matmul %select_n3A_58, %get3A_79, %dot_general3A {dimension_numbers = #tpu.dot_dimension_numbers<[1], [0], [0], [1], [0, 0, 1, 1], [], []>, transpose_lhs_hint = false} : vector<560x336xf32>, vector<336x1024xf32>, vector<560x1024xf32> -> vector<560x1024xf32>
    %swap3A = arith.constant 0 : index
    %swap3A_81 = arith.constant 0 : index
    %swap3A_82 = vector.load %arg3[%swap3A, %swap3A_81] : memref<560x1024xf32, #tpu.memory_space<vmem>>, vector<560x1024xf32>
    tpu.vector_store %arg3[%swap3A, %swap3A_81], %dot_general3A_80 {strides = array<i32>} : memref<560x1024xf32, #tpu.memory_space<vmem>>, vector<560x1024xf32>,
    return
  }
  func.func @transform_0(%arg0: i32) -> i32 {
    %c0_i32 = arith.constant 0 : i32
    %c0_i32_0 = arith.constant 0 : i32
    return %c0_i32 : i32
  }
  func.func @transform_2(%arg0: i32) -> (i32, i32) {
    %add3A = arith.constant 2 : i32
    %add3A_0 = arith.addi %arg0, %add3A : i32
    %c0_i32 = arith.constant 0 : i32
    %c0_i32_1 = arith.constant 0 : i32
    return %add3A_0, %c0_i32 : i32, i32
  }
}

</mosaic_0001>

<sc_bundles>
// kernel: kernel.4.cloned.1.call-start
scs
__scs_entry_jumppad:
0x0: {  	(pc) =	sbr.rel $0x88, $3  }
0x1: {  	(tag) =	ssettag $0x0;
	lr =	simm.s32 $0x1  }
0x2: {  	[smem:$0x3FA0] =	sst lr;
	_ =	strace $0xD0000000  }
0x3: {  	_ = 	snop  }
0x4: {  	_ = 	snop  }
0x5: {  	_ = 	snop  }
0x6: {  	_ = 	snop  }
0x7: {  	_ = 	snop  }
__scs_overlays_trampoline_lowered:
0x8: {  	[smem:$0x3FAF] =	sst s0  }
0x9: {  	[smem:$0x3FB0] =	sst s1  }
0xa: {  	[smem:$0x3FB1] =	sst s2  }
0xb: {  	[smem:$0x3FB2] =	sst s3  }
0xc: {  	[smem:$0x3FB3] =	sst s4  }
0xd: {  	[smem:$0x3FB4] =	sst s5  }
0xe: {  	[smem:$0x3FB5] =	sst s6  }
0xf: {  	[smem:$0x3FB6] =	sst s7  }
0x10: {  	[smem:$0x3FB7] =	sst s8  }
0x11: {  	[smem:$0x3FB8] =	sst s9;
	s0 =	simm.s32 @!p0 $0x0  }
0x12: {  	s1 =	sld [smem:$0x3F9E];
	s0 =	simm.s32 @p0 $0x1  }
0x13: {  	[smem:$0x3FB9] =	sst s0;
	s0 =	simm.s32 @!p1 $0x0  }
0x14: {  	s2 =	sld [smem:$0x3F9D];
	s0 =	simm.s32 @p1 $0x1  }
0x15: {  	[smem:$0x3FBA] =	sst s0;
	s0 =	simm.s32 @!p2 $0x0  }
0x16: {  	s3 =	sld [smem:$0x3FDB];
	s0 =	simm.s32 @p2 $0x1  }
0x17: {  	s4 =	simm.s32 $0x1BF5;
	[smem:$0x3FBC] =	sst s0  }
0x18: {  	s0 =	sld [smem:$0x3F9F];
	_ =	swait.ge [sflag:s4], $0x0  }
0x19: {  	s7 =	sld [smem:$0x3FA0]  }
0x1a: {  	s8 =	sadd.s32 $0xFFFFE003, lr  }
0x1b: {  	s9 =	sadd.s32 $0xFFFFFEF7, lr;
	s5 =	simm.s32 $0xFFFFFFFF;
	p2 =	slt.u32 s8, $0xFFFFF086  }
0x1c: {  	p1 =	slt.u32 s9, $0xF7A;
	s5 =	simm.s32 @!p2 $0x0  }
0x1d: {  	s5 =	simm.s32 @p1 $0x1;
	p0 =	seq.s32 s7, s2  }
0x1e: {  	s7 =	smul.u32 @!p0 $0xF7A, s2;
	p2 =	seq.s32 @!p0 s5, $0x0  }
0x1f: {  	s9 =	smul.u32 $0xF7A, s1;
	s8 =	simm.s32 @!p0 $0x1BF5;
	p2 =	por !p2, p0  }
0x20: {  	[sflag:s8] =	ssyncset.s32 @!p0 $0xFFFFF086;
	s6 =	sadd.s32 @!p0 s3, s7;
	s7 =	simm.s32 @!p0 $0x108  }
0x21: {  	s3 =	sadd.s32 s3, s9;
	s6 =	sadd.s32 @!p0 $0x88, s6;
	s7 =	simm.s32 @p2 $0x1082  }
0x22: {  	[simem:s7], [sflag:s8] =	dma.local @!p0 [hbm:s6], $0xF7A  }
0x23: {  	s9 =	sor.u32 $0xD0000000, s2;
	s6 =	simm.s32 $0x108;
	_ =	swait.ge @!p0 [sflag:s8], $0x0  }
0x24: {  	s3 =	sadd.s32 $0x88, s3;
	s6 =	simm.s32 @!p1 $0x1082;
	[sflag:s4] =	ssyncset.s32 $0xFFFFF086  }
0x25: {  	[simem:s6], [sflag:s4] =	dma.local [hbm:s3], $0xF7A  }
0x26: {  	[smem:$0x3FA0] =	sst s1;
	(tag) =	ssettag s2;
	_ =	strace s9  }
0x27: {  	s1 =	sld [smem:$0x3FB0]  }
0x28: {  	s2 =	sld [smem:$0x3FB1]  }
0x29: {  	s4 =	sld [smem:$0x3FB3]  }
0x2a: {  	p0 =	seq.s32 s5, $0x0;
	s5 =	sld [smem:$0x3FB4]  }
0x2b: {  	s6 =	sld [smem:$0x3FB5]  }
0x2c: {  	s7 =	sld [smem:$0x3FB6]  }
0x2d: {  	s3 =	simm.s32 $0x108;
	s8 =	sld [smem:$0x3FB7]  }
0x2e: {  	s3 =	simm.s32 @!p0 $0x1082;
	s9 =	sld [smem:$0x3FB8]  }
0x2f: {  	lr =	sadd.s32 s0, s3;
	s0 =	sld [smem:$0x3FAF]  }
0x30: {  	s3 =	sld [smem:$0x3FB2]  }
0x31: {  	[smem:$0x3FBB] =	sst s10  }
0x32: {  	s10 =	sld [smem:$0x3FB9];
	_ =	sdelay $0x3  }
0x33: {  	p0 =	seq.s32 s10, $0x1;
	s10 =	sld [smem:$0x3FBB];
	_ =	sdelay $0x3  }
0x34: {  	[smem:$0x3FBB] =	sst s10  }
0x35: {  	s10 =	sld [smem:$0x3FBA];
	_ =	sdelay $0x3  }
0x36: {  	p1 =	seq.s32 s10, $0x1;
	s10 =	sld [smem:$0x3FBB];
	_ =	sdelay $0x3  }
0x37: {  	[smem:$0x3FBB] =	sst s10  }
0x38: {  	s10 =	sld [smem:$0x3FBC]  }
0x39: {  	_ = 	snop;
	(pc) =	sbr.ind lr, $3  }
0x3a: {  	_ = 	snop  }
0x3b: {  	_ = 	snop  }
0x3c: {  	p2 =	seq.s32 s10, $0x1;
	s10 =	sld [smem:$0x3FBB]  }
0x3d: {  	_ =	shalt  }
0x3e: {  	_ =	shalt  }
0x3f: {  	_ =	shalt  }
0x40: {  	_ =	shalt  }
0x41: {  	_ =	shalt  }
0x42: {  	_ =	shalt  }
0x43: {  	_ =	shalt  }
0x44: {  	_ =	shalt  }
0x45: {  	_ =	shalt  }
0x46: {  	_ =	shalt  }
0x47: {  	_ =	shalt  }
0x48: {  	_ =	shalt  }
0x49: {  	_ =	shalt  }
0x4a: {  	_ =	shalt  }
0x4b: {  	_ =	shalt  }
0x4c: {  	_ =	shalt  }
0x4d: {  	_ =	shalt  }
0x4e: {  	_ =	shalt  }
0x4f: {  	_ =	shalt  }
0x50: {  	_ =	shalt  }
0x51: {  	_ =	shalt  }
0x52: {  	_ =	shalt  }
0x53: {  	_ =	shalt  }
0x54: {  	_ =	shalt  }
0x55: {  	_ =	shalt  }
0x56: {  	_ =	shalt  }
0x57: {  	_ =	shalt  }
0x58: {  	_ =	shalt  }
0x59: {  	_ =	shalt  }
0x5a: {  	_ =	shalt  }
0x5b: {  	_ =	shalt  }
0x5c: {  	_ =	shalt  }
0x5d: {  	_ =	shalt  }
0x5e: {  	_ =	shalt  }
0x5f: {  	_ =	shalt  }
0x60: {  	_ =	shalt  }
0x61: {  	_ =	shalt  }
0x62: {  	_ =	shalt  }
0x63: {  	_ =	shalt  }
0x64: {  	_ =	shalt  }
0x65: {  	_ =	shalt  }
0x66: {  	_ =	shalt  }
0x67: {  	_ =	shalt  }
0x68: {  	_ =	shalt  }
0x69: {  	_ =	shalt  }
0x6a: {  	_ =	shalt  }
0x6b: {  	_ =	shalt  }
0x6c: {  	_ =	shalt  }
0x6d: {  	_ =	shalt  }
0x6e: {  	_ =	shalt  }
0x6f: {  	_ =	shalt  }
0x70: {  	_ =	shalt  }
0x71: {  	_ =	shalt  }
0x72: {  	_ =	shalt  }
0x73: {  	_ =	shalt  }
0x74: {  	_ =	shalt  }
0x75: {  	_ =	shalt  }
0x76: {  	_ =	shalt  }
0x77: {  	_ =	shalt  }
0x78: {  	_ =	shalt  }
0x79: {  	_ =	shalt  }
0x7a: {  	_ =	shalt  }
0x7b: {  	_ =	shalt  }
0x7c: {  	_ =	shalt  }
0x7d: {  	_ =	shalt  }
0x7e: {  	_ =	shalt  }
0x7f: {  	_ =	shalt  }
0x80: {  	_ =	shalt  }
0x81: {  	_ =	shalt  }
0x82: {  	_ =	shalt  }
0x83: {  	_ =	shalt  }
0x84: {  	_ =	shalt  }
0x85: {  	_ =	shalt  }
0x86: {  	_ =	shalt  }
0x87: {  	_ =	shalt  }
.Lfunc_end0:
.L_simem_size_0:
called_computation_lowered:
.L_overlay_start_0:
0x88: {  	s2 =	sld [smem:$0x3FD9]  }
0x89: {  	s3 =	sld [smem:$0x3FFE];
	_ =	sdelay $0x1  }
0x8a: {  	s1 =	srdreg.scid  }
0x8b: {  	s0 =	sand.u32 $0x1, s1  }
0x8c: {  	s17 =	sshll.u32 s0, $0xA;
	s2 =	sadd.s32 s3, s2  }
0x8d: {  	s2 =	sadd.s32 s2, s17  }
0x8e: {  	[smem:$0x3FC7] =	sst s2  }
0x8f: {  	_ = 	snop  }
0x90: {  	s2 =	sld [smem:$0x3FC9];
	(tm) =	ssettm $0x1  }
0x91: {  	s18 =	sld [smem:$0x3FFB];
	_ =	sdelay $0x3  }
0x92: {  	_ =	strace s18  }
0x93: {  	s3 =	sld [smem:$0x3FFC];
	_ =	sdelay $0x3  }
0x94: {  	_ =	strace s3  }
0x95: {  	s3 =	sld [smem:$0x3FFD];
	_ =	sdelay $0x3  }
0x96: {  	_ =	strace s3  }
0x97: {  	_ =	strace $0x8FFFFFFF  }
0x98: {  	s19 =	sld [smem:$0x3FDB];
	_ =	sdelay $0x1  }
0x99: {  	s4 =	simm.s32 $_scs_section_size  }
0x9a: {  	s5 =	simm.s32 $_size__tile_overlayer_lowered;
	s6 =	simm.s32 $_tile_overlayer_lowered  }
0x9b: {  	s22 =	simm.s32 $0x1BFF;
	s21 =	sshll.u32 s6, $0x1;
	s3 =	sadd.s32 s4, s19  }
0x9c: {  	s7 =	simm.s32 $0x0;
	s20 =	sshll.u32 s5, $0x1;
	s5 =	sadd.s32 s21, s3  }
0x9d: {  	[timem:s7], [sflag:s22] =	dma.local [hbm:s5], s20  }
0x9e: {  	_ =	swait.ge [sflag:s22], s20  }
0x9f: {  	s4 =	ssub.s32 $0x0, s20;
	[sflag:s22] =	ssyncset.done $0x0  }
0xa0: {  	[sflag:s22] =	ssyncadd.s32 s4;
	_ =	sdelay $0x1  }
0xa1: {  	s23 =	simm.s32 $0x1B8B  }
0xa2: {  	_ =	swait.ge [sflag:s23], $0x1  }
0xa3: {  	[sflag:s23] =	ssyncset.done $0x0  }
0xa4: {  	s25 =	simm.s32 $0x1B8E;
	s24 =	sld [smem:$0x3FFE];
	[sflag:s23] =	ssyncadd.s32 $0xFFFFFFFF  }
0xa5: {  	s26 =	simm.s32 $execute0_lowered;
	[smem:$0x3FD2] =	sst s25  }
0xa6: {  	s5 =	sshll.u32 s26, $0x1;
	_ =	strace $0x80000046;
	[dreg:$0x1] =	wrdreg $0xFFFFFFFF  }
0xa7: {  	s28 =	simm.s32 $_size_execute0_lowered;
	s3 =	sadd.s32 s3, s5;
	[dreg:$0x0] =	wrdreg $0x0  }
0xa8: {  	s5 =	sshll.u32 s28, $0x1;
	[dreg:$0x2] =	wrdreg s3  }
0xa9: {  	[dreg:$0x3] =	wrdreg s5  }
0xaa: {  	[dreg:$0x4] =	wrdreg $0xC0  }
0xab: {  	_ =	task [dreg:s7], $0x5FFFF  }
0xac: {  	[dreg:$0x1] =	wrdreg $0xFFFFFFFF  }
0xad: {  	[dreg:$0x0] =	wrdreg $0x60  }
0xae: {  	[dreg:$0x2] =	wrdreg s2  }
0xaf: {  	[dreg:$0x3] =	wrdreg s24  }
0xb0: {  	[dreg:$0x4] =	wrdreg $0x9  }
0xb1: {  	_ =	task.clear_ibuf [dreg:s7], $0x5FFFF;
	_ =	strace $0x90000046  }
0xb2: {  	s29 =	simm.s32 $0x9;
	_ =	strace $0x80000048  }
0xb3: {  	_ =	swait.ge [sflag:s29], $0x1  }
0xb4: {  	[sflag:s29] =	ssyncadd.s32 $0xFFFFFFFF  }
0xb5: {  	_ =	strace $0x90000048  }
0xb6: {  	_ =	sfence  }
0xb7: {  	s30 =	sld [smem:$0x0];
	_ =	sdelay $0x2  }
0xb8: {  	s31 =	sshll.u32 s1, $0xD;
	s1 =	sshrl.u32 s1, $0x2  }
0xb9: {  	s3 =	sand.u32 $0x4000, s31;
	s1 =	sadd.s32 s1, s30  }
0xba: {  	s0 =	sor.u32 s3, s0;
	s1 =	sshll.u32 s1, $0x11  }
0xbb: {  	s0 =	sor.u32 s1, s0  }
0xbc: {  	s0 =	sadd.s32 $0x8F2B, s0  }
0xbd: {  	[sflag:s0] =	ssyncadd.remote.s32 $0x1  }
0xbe: {  	_ =	sfence.sel $0xFFFF  }
0xbf: {  	[dreg:$0x0] =	wrdreg $0xFFFFFFFF;
	(pc) =	sbr.abs _section_cstart, $3  }
0xc0: {  	[dreg:$0x1] =	wrdreg $0xFFFFFFFF  }
0xc1: {  	_ =	task.clear_ibuf [dreg:s7], $0x2FFFF;
	_ =	strace $0x9FFFFFFF  }
0xc2: {  	(tm) =	ssettm $0x7FFFFFFF  }
0xc3: {  	_ =	shalt  }
tec
execute0_lowered:
.L_overlay_start_1:
0x0: {  	(tag) =	ssettag $0x1  }
0x1: {  	s2 =	rddreg [dreg:$0x0]  }
0x2: {  	s1 =	srdreg.scid;
	s0 =	stileid.u32  }
0x3: {  	s4 =	rddreg [dreg:$0x1];
	s3 =	simm.s32 $0x0;
	s9 =	simm.s32 $0x3  }
0x4: {  	s10 =	simm.s32 $0x80;
	s11 =	simm.s32 $0x880;
	s12 =	simm.s32 $0x1080  }
0x5: {  	s13 =	simm.s32 $0x1880;
	s14 =	simm.s32 $0x2080;
	s15 =	simm.s32 $0x2880  }
0x6: {  	s16 =	simm.s32 $0x3080;
	s17 =	simm.s32 $0x3880;
	s18 =	simm.s32 $0x4080  }
0x7: {  	s19 =	simm.s32 $0x4880;
	s20 =	simm.s32 $0x5080;
	s21 =	simm.s32 $0x5880  }
0x8: {  	s22 =	simm.s32 $0x6080;
	s23 =	simm.s32 $0x6880;
	s24 =	simm.s32 $0x7080  }
0x9: {  	s25 =	simm.s32 $0x7880;
	s28 =	simm.s32 $0x8880;
	s29 =	simm.s32 $0x9080  }
0xa: {  	s30 =	simm.s32 $0x9880;
	s1 =	sand.u32 $0x1, s1;
	s5 =	sshll.u32 s0, $0x1  }
0xb: {  	s31 =	simm.s32 $0x1;
	[smem:$0x7FF] =	sst s3;
	s5 =	sor.u32 s1, s5  }
0xc: {  	s1 =	ssub.s32 $0x2, s1;
	s6 =	smul.u32 $0x1180, s5;
	s5 =	sshll.u32 s5, $0x4  }
0xd: {  	_ =	strace $0x80000047;
	s26 =	sshrl.u32 s1, $0x1;
	s5 =	sadd.s32 s5, s4  }
0xe: {  	s1 =	ssub.s32 s1, s26;
	s26 =	simm.s32 $0x8080;
	s6 =	sand.u32 $0x3FC00, s6  }
0xf: {  	v2 =	vlaneseq.u32;
	s5 =	sadd.s32 $0x600, s5;
	s8 =	smax.u32 s1, $0x1;
	s1 =	simm.s32 $0x2  }
0x10: {  	vm0 =	vmmov $0xffff;
	v1 =	vshrl.u32 v2, $0x3;
	s7 =	sadd.s32 s6, s4;
	[dreg:$0x3] =	wrdreg s5;
	s4 =	sadd.s32 $0x100, s2  }
0x11: {  	v0 =	vand.u32 $0x7, v2;
	v2 =	vor.u32 $0x8, v2;
	v1 =	vmul.u32 $0x8, v1;
	s5 =	sadd.s32 $0x200, s2;
	s6 =	sadd.s32 $0x300, s2;
	s7 =	sadd.s32 $0x800, s7  }
.LBB2_1:
0x12: {  	s0 =	rddreg [dreg:$0x3]  }
0x13: {  	[tilespmem:s3], [sflag:$0x3] =	stream.linear.gather [hbm4b:s0+s3], $0x80, $0x38;
	[tilespmem:$0xA080] =	vst v63  }
0x14: {  	_ =	swait.ge [sflag:s9], $0x80  }
0x15: {  	[sflag:s9] =	ssyncset.done $0x0  }
0x16: {  	[sflag:s9] =	ssyncadd.s32 $0xFFFFFF80  }
0x17: {  	v3 =	vld [tilespmem:$0x0];
	_ =	sdelay $0x4  }
0x18: {  	v4 =	vshll.u32 v3, $0x3  }
0x19: {  	v3 =	vand.u32 $0x7, v3;
	v4 =	vand.u32 $0xFFFFFFC0, v4  }
0x1a: {  	v3 =	vor.u32 v3, v4  }
0x1b: {  	v4 =	vperm.xlane v3, v0;
	_ =	sdelay $0x1  }
0x1c: {  	v4 =	vadd.s32 v1, v4;
	_ =	sdelay $0x4  }
0x1d: {  	[tilespmem:s10], [sflag:$0x1] =	stream.indirect_vreg.gather [hbm4b:s2+s3], $0x80, v4, vm0, $0xb8;
	[tilespmem:$0xA080] =	vst v63  }
0x1e: {  	v3 =	vperm.xlane v3, v2  }
0x1f: {  	[tilespmem:s11], [sflag:$0x1] =	stream.indirect_vreg.gather [hbm4b:s4+s3], $0x80, v4, vm0, $0xb8;
	[tilespmem:$0xA080] =	vst v63  }
0x20: {  	v3 =	vadd.s32 v1, v3  }
0x21: {  	[tilespmem:s12], [sflag:$0x1] =	stream.indirect_vreg.gather [hbm4b:s5+s3], $0x80, v4, vm0, $0xb8;
	[tilespmem:$0xA080] =	vst v63  }
0x22: {  	_ = 	snop  }
0x23: {  	[tilespmem:s13], [sflag:$0x1] =	stream.indirect_vreg.gather [hbm4b:s6+s3], $0x80, v4, vm0, $0xb8;
	[tilespmem:$0xA080] =	vst v63  }
0x24: {  	_ = 	snop  }
0x25: {  	[tilespmem:s14], [sflag:$0x1] =	stream.indirect_vreg.gather [hbm4b:s2+s3], $0x80, v3, vm0, $0xb8;
	[tilespmem:$0xA080] =	vst v63  }
0x26: {  	_ = 	snop  }
0x27: {  	[tilespmem:s15], [sflag:$0x1] =	stream.indirect_vreg.gather [hbm4b:s4+s3], $0x80, v3, vm0, $0xb8;
	[tilespmem:$0xA080] =	vst v63  }
0x28: {  	_ = 	snop  }
0x29: {  	[tilespmem:s16], [sflag:$0x1] =	stream.indirect_vreg.gather [hbm4b:s5+s3], $0x80, v3, vm0, $0xb8;
	[tilespmem:$0xA080] =	vst v63  }
0x2a: {  	_ = 	snop  }
0x2b: {  	[tilespmem:s17], [sflag:$0x1] =	stream.indirect_vreg.gather [hbm4b:s6+s3], $0x80, v3, vm0, $0xb8;
	[tilespmem:$0xA080] =	vst v63  }
0x2c: {  	v3 =	vld [tilespmem:$0x10];
	_ =	sdelay $0x4  }
0x2d: {  	v62 =	vshll.u32 v3, $0x3  }
0x2e: {  	v3 =	vand.u32 $0x7, v3;
	v4 =	vand.u32 $0xFFFFFFC0, v62  }
0x2f: {  	v3 =	vor.u32 v3, v4  }
0x30: {  	v4 =	vperm.xlane v3, v0;
	_ =	sdelay $0x1  }
0x31: {  	v4 =	vadd.s32 v1, v4;
	_ =	sdelay $0x4  }
0x32: {  	[tilespmem:s18], [sflag:$0x1] =	stream.indirect_vreg.gather [hbm4b:s2+s3], $0x80, v4, vm0, $0xb8;
	[tilespmem:$0xA080] =	vst v63  }
0x33: {  	v3 =	vperm.xlane v3, v2  }
0x34: {  	[tilespmem:s19], [sflag:$0x1] =	stream.indirect_vreg.gather [hbm4b:s4+s3], $0x80, v4, vm0, $0xb8;
	[tilespmem:$0xA080] =	vst v63  }
0x35: {  	v3 =	vadd.s32 v1, v3  }
0x36: {  	[tilespmem:s20], [sflag:$0x1] =	stream.indirect_vreg.gather [hbm4b:s5+s3], $0x80, v4, vm0, $0xb8;
	[tilespmem:$0xA080] =	vst v63  }
0x37: {  	_ = 	snop  }
0x38: {  	[tilespmem:s21], [sflag:$0x1] =	stream.indirect_vreg.gather [hbm4b:s6+s3], $0x80, v4, vm0, $0xb8;
	[tilespmem:$0xA080] =	vst v63  }
0x39: {  	_ = 	snop  }
0x3a: {  	[tilespmem:s22], [sflag:$0x1] =	stream.indirect_vreg.gather [hbm4b:s2+s3], $0x80, v3, vm0, $0xb8;
	[tilespmem:$0xA080] =	vst v63  }
0x3b: {  	_ = 	snop  }
0x3c: {  	[tilespmem:s23], [sflag:$0x1] =	stream.indirect_vreg.gather [hbm4b:s4+s3], $0x80, v3, vm0, $0xb8;
	[tilespmem:$0xA080] =	vst v63  }
0x3d: {  	_ = 	snop  }
0x3e: {  	[tilespmem:s24], [sflag:$0x1] =	stream.indirect_vreg.gather [hbm4b:s5+s3], $0x80, v3, vm0, $0xb8;
	[tilespmem:$0xA080] =	vst v63  }
0x3f: {  	_ = 	snop  }
0x40: {  	[tilespmem:s25], [sflag:$0x1] =	stream.indirect_vreg.gather [hbm4b:s6+s3], $0x80, v3, vm0, $0xb8;
	[tilespmem:$0xA080] =	vst v63  }
0x41: {  	v3 =	vld.msk [tilespmem:$0x20], $0xff;
	_ =	sdelay $0x4  }
0x42: {  	v63 =	vshll.u32 v3, $0x3  }
0x43: {  	v3 =	vand.u32 $0x7, v3;
	v4 =	vand.u32 $0xFFFFFFC0, v63  }
0x44: {  	v3 =	vor.u32 v3, v4  }
0x45: {  	v3 =	vperm.xlane v3, v0;
	_ =	sdelay $0x1  }
0x46: {  	v3 =	vadd.s32 v1, v3;
	_ =	sdelay $0x4  }
0x47: {  	[tilespmem:s26], [sflag:$0x1] =	stream.indirect_vreg.gather [hbm4b:s2+s3], $0x80, v3, vm0, $0xb8;
	[tilespmem:$0xA080] =	vst v63  }
0x48: {  	_ = 	snop  }
0x49: {  	[tilespmem:s28], [sflag:$0x1] =	stream.indirect_vreg.gather [hbm4b:s4+s3], $0x80, v3, vm0, $0xb8;
	[tilespmem:$0xA080] =	vst v63  }
0x4a: {  	_ = 	snop  }
0x4b: {  	[tilespmem:s29], [sflag:$0x1] =	stream.indirect_vreg.gather [hbm4b:s5+s3], $0x80, v3, vm0, $0xb8;
	[tilespmem:$0xA080] =	vst v63  }
0x4c: {  	_ = 	snop  }
0x4d: {  	[tilespmem:s30], [sflag:$0x1] =	stream.indirect_vreg.gather [hbm4b:s6+s3], $0x80, v3, vm0, $0xb8;
	[tilespmem:$0xA080] =	vst v63  }
0x4e: {  	_ =	swait.ge [sflag:s31], $0xA000  }
0x4f: {  	p0 =	sne.s32 s8, $0x1;
	[sflag:s31] =	ssyncset.done $0x0  }
.Ltmp0:
0x50: {  	[sflag:s31] =	ssyncadd.s32 $0xFFFF6000;
	(pc) =	sbr.rel @p0 .LBB2_1-.Ltmp0, $4  }
0x51: {  	[hbm4b:s7+s3] =	stream.linear.scatter [tilespmem:s10], [sflag:$0x2], $0xA000, $0x38;
	[tilespmem:$0xA080] =	vst v63  }
0x52: {  	_ =	swait.ge [sflag:s1], $0xA000  }
0x53: {  	[sflag:s1] =	ssyncset.done $0x0  }
0x54: {  	s8 =	sadd.s32 $0xFFFFFFFF, s8;
	[sflag:s1] =	ssyncadd.s32 $0xFFFF6000  }
0x55: {  	_ =	sfence.sel $0x180000  }
0x56: {  	[bflag:$0x0] =	sbarrier.arrive $0xFFFF  }
0x57: {  	_ =	strace $0x90000047  }
0x58: {  	s0 =	stileid.u32;
	[bflag:$0x2] =	sbarrier.arrive $0xFFFF  }
0x59: {  	p0 =	sne.s32 s0, $0x0;
	s0 =	rddreg [dreg:$0x2]  }
0x5a: {  	s0 =	sadd.s32 @!p0 $0x100000, s0  }
0x5b: {  	[sflag:s0] =	ssyncadd.tile.s32 @!p0 $0x1;
	_ =	shalt  }
.Lfunc_end2:
_tile_overlayer_lowered:
.L_overlay_start_2:
0x5c: {  	(tag) =	ssettag $0x2  }
0x5d: {  	s0 =	rddreg [dreg:$0x0];
	s2 =	stileid.u32  }
0x5e: {  	s1 =	rddreg [dreg:$0x1];
	p0 =	sne.s32 s2, $0x0  }
0x5f: {  	s3 =	rddreg [dreg:$0x2];
	[bflag:$0x3] =	sbarrier.arrive $0xFFFF;
	s2 =	simm.s32 @!p0 $0x1C03  }
0x60: {  	[timem:s3], [sflag:s2] =	dma.local @!p0 [hbm:s0], s1  }
0x61: {  	s0 =	simm.s32 @!p0 $0x3  }
0x62: {  	_ =	swait.ge @!p0 [sflag:s0], s1  }
0x63: {  	s1 =	ssub.s32 @!p0 $0x0, s1;
	[sflag:s0] =	ssyncset.done @!p0 $0x0  }
0x64: {  	[sflag:s0] =	ssyncadd.s32 @!p0 s1  }
0x65: {  	[bflag:$0x3] =	sbarrier.arrive $0xFFFF  }
0x66: {  	_ =	shalt  }

</sc_bundles>
